<compile_context>
chip_gen: v7x
topology: tpu7x:2x2x1
jax: 0.10.2.dev20260603
libtpu: 0.0.44.dev20260713+nightly
codegen_flags: <defaults>
</compile_context>

<pallas_src>
import functools

import jax
import jax.numpy as jnp
import numpy as np
from jax import lax
from jax.experimental import pallas as pl
from jax.experimental.pallas import tpu as pltpu
from jax.experimental.pallas import tpu_sc as plsc

B, N, D = 8, 576, 32
K = 8192
T = B * N
TB = 576
NTB = T // TB
KC = 2048
NKC = K // KC


def _argmin_body(x_ref, cb_ref, x2_ref, c2_ref, kf_ref, out_ref, d2_ref):
    xs = -2.0 * x_ref[0]
    x2 = x2_ref[0].reshape(TB, 1)
    kf = kf_ref[...].reshape(1, K)
    m2 = None
    for c in range(NKC):
        ksl = pl.ds(c * KC, KC)
        neg2cross = lax.dot_general(
            xs, cb_ref[ksl, :],
            dimension_numbers=(((1,), (1,)), ((), ())),
            preferred_element_type=jnp.float32,
        )
        d2c = (x2 + c2_ref[ksl].reshape(1, KC)) + neg2cross
        d2_ref[:, ksl] = d2c
        mc = jnp.min(d2c, axis=1, keepdims=True)
        m2 = mc if m2 is None else jnp.minimum(m2, mc)
    m2c = jnp.maximum(m2, 0.0)
    s0 = jnp.sqrt(m2c)
    hb = lax.bitcast_convert_type(m2c, jnp.int32)
    for _ in range(8):
        nb = hb + 1
        nx = lax.bitcast_convert_type(nb, jnp.float32)
        hb = jnp.where(jnp.sqrt(nx) <= s0, nb, hb)
    H = lax.bitcast_convert_type(hb, jnp.float32)
    H = jnp.where(m2 > 0.0, H, 0.0)
    val = jnp.where(d2_ref[...] <= H, kf, jnp.float32(K))
    idx = jnp.min(val, axis=1).astype(jnp.int32)
    out_ref[0, 0, :] = idx


_KF = np.arange(K, dtype=np.float32)


def _compute_indices(x, cb, x2, c2):
    return pl.pallas_call(
        _argmin_body,
        grid=(NTB,),
        in_specs=[
            pl.BlockSpec((1, N, D), lambda i: (i, 0, 0)),
            pl.BlockSpec((K, D), lambda i: (0, 0)),
            pl.BlockSpec((1, 1, TB), lambda i: (i, 0, 0)),
            pl.BlockSpec((K,), lambda i: (0,)),
            pl.BlockSpec((K,), lambda i: (0,)),
        ],
        out_specs=pl.BlockSpec((1, 1, TB), lambda i: (i, 0, 0)),
        out_shape=jax.ShapeDtypeStruct((NTB, 1, TB), jnp.int32),
        scratch_shapes=[pltpu.VMEM((TB, K), jnp.float32)],
        compiler_params=pltpu.CompilerParams(
            dimension_semantics=("arbitrary",),
        ),
    )(x, cb, x2, c2, jnp.asarray(_KF))


_INFO = plsc.get_sparse_core_info()
_NC, _NS = _INFO.num_cores, _INFO.num_subcores
_NW = _NC * _NS
_BPW = T // _NW

_sc_mesh = plsc.VectorSubcoreMesh(core_axis_name="c", subcore_axis_name="s")


@functools.partial(
    pl.kernel,
    mesh=_sc_mesh,
    out_type=jax.ShapeDtypeStruct((T, D), jnp.float32),
    scratch_types=[
        pltpu.VMEM((_BPW,), jnp.int32),
        pltpu.VMEM((_BPW, D), jnp.float32),
        pltpu.SemaphoreType.DMA,
    ],
    compiler_params=pltpu.CompilerParams(use_tc_tiling_on_sc=False),
)
def _sc_gather(table_hbm, idx_hbm, out_hbm, idx_v, rows_v, sem):
    wid = lax.axis_index("s") * _NC + lax.axis_index("c")
    base = wid * _BPW
    pltpu.sync_copy(idx_hbm.at[pl.ds(base, _BPW)], idx_v)
    pltpu.async_copy(table_hbm.at[idx_v], rows_v, sem).wait()
    pltpu.sync_copy(rows_v, out_hbm.at[pl.ds(base, _BPW)])


def kernel(x, codebook):
    x2 = jnp.sum(x * x, axis=-1).reshape(NTB, 1, TB)
    c2 = jnp.sum(codebook * codebook, axis=-1)
    idx = _compute_indices(x, codebook, x2, c2).reshape(T)
    return _sc_gather(codebook, idx).reshape(B, N, D)

# --- scband reference (transcript-rebuilt; emitter-appended) ---
"""Pipeline reference for scband-symbolic-projector-71296457113951 (READ-ONLY COPY).

The authoritative reference and input builder live on the scoring server;
editing this copy changes nothing except your own understanding.
"""

import jax, jax.numpy as jnp
import numpy as np


def setup_inputs(seed: int = 0) -> dict:
    key = jax.random.key(seed)
    k1, k2 = jax.random.split(key)
    x = jax.random.normal(k1, (8, 576, 32), dtype=jnp.float32)
    codebook = jax.random.normal(k2, (8192, 32), dtype=jnp.float32)
    return {"x": x, "codebook": codebook}


def reference(x, codebook):
    # torch.cdist(x, codebook) with p=2, via expanded squared-distance formula
    # x: [B, N, D], codebook: [K, D] -> dist: [B, N, K]
    x2 = jnp.sum(x * x, axis=-1, keepdims=True)                      # [B, N, 1]
    c2 = jnp.sum(codebook * codebook, axis=-1)                        # [K]
    cross = jnp.einsum('bnd,kd->bnk', x, codebook)                    # [B, N, K]
    dist2 = x2 + c2[None, None, :] - 2.0 * cross
    dist = jnp.sqrt(jnp.maximum(dist2, 0.0))
    idx = jnp.argmin(dist, axis=-1)                                   # [B, N] int
    # self.codebook(idx): embedding gather
    out = jnp.take(codebook, idx, axis=0)                             # [B, N, D]
    return out

if __name__ == "__main__":
    import jax
    _d = setup_inputs()
    print(jax.jit(kernel)(*tuple(_d.values())))

</pallas_src>

<mosaic_0001>
#map = affine_map<(d0, d1) -> (0, 0)>
#map1 = affine_map<(d0, d1) -> (0)>
module attributes {stable_mosaic.version = 14 : i64} {
  func.func @_sc_gather(%arg0: i32, %arg1: i32, %arg2: memref<8192x32xf32, #tpu.memory_space<hbm>>, %arg3: memref<4608xi32, #tpu.memory_space<hbm>>, %arg4: memref<4608x32xf32, #tpu.memory_space<hbm>>, %arg5: memref<144xi32, #tpu.memory_space<vmem>>, %arg6: memref<144x32xf32, #tpu.memory_space<vmem>>, %arg7: memref<!tpu.dma_semaphore, #tpu.memory_space<semaphore_mem>>) attributes {dimension_semantics = [#tpu.dimension_semantics<core_parallel>, #tpu.dimension_semantics<subcore_parallel>], iteration_bounds = array<i64: 2, 16>, scalar_prefetch = 0 : i64, scratch_operands = 3 : i64, tpu.core_type = #tpu.core_type<sc_vector_subcore>, window_params = [{transform_indices = #map}, {transform_indices = #map1}, {transform_indices = #map}]} {
    %mul3A = arith.constant 2 : i32
    %mul3A_0 = arith.muli %arg1, %mul3A : i32
    %add3A = arith.addi %mul3A_0, %arg0 : i32
    %mul3A_1 = arith.constant 144 : i32
    %mul3A_2 = arith.muli %add3A, %mul3A_1 : i32
    "tpu.region"() ({
      %run_scoped3A = tpu.sem_alloc : memref<!tpu.dma_semaphore, #tpu.memory_space<semaphore_mem>>
      %dma_start3A_7 = tpu.memref_slice %arg3[%mul3A_2] : memref<4608xi32, #tpu.memory_space<hbm>> -> memref<144xi32, #tpu.memory_space<hbm>>
      %dma_start3A_8 = tpu.memref_slice %arg3[%mul3A_2] : memref<4608xi32, #tpu.memory_space<hbm>> -> memref<144xi32, #tpu.memory_space<hbm>>
      tpu.enqueue_dma source(%dma_start3A_8 : memref<144xi32, #tpu.memory_space<hbm>>) target(%arg5 : memref<144xi32, #tpu.memory_space<vmem>>) target_semaphore(%run_scoped3A : memref<!tpu.dma_semaphore, #tpu.memory_space<semaphore_mem>>)
      %dma_wait3A_9 = tpu.memref_slice %arg3[%mul3A_2] : memref<4608xi32, #tpu.memory_space<hbm>> -> memref<144xi32, #tpu.memory_space<hbm>>
      %dma_wait3A_10 = tpu.memref_slice %arg3[%mul3A_2] : memref<4608xi32, #tpu.memory_space<hbm>> -> memref<144xi32, #tpu.memory_space<hbm>>
      tpu.wait_dma2 semaphore(%run_scoped3A : memref<!tpu.dma_semaphore, #tpu.memory_space<semaphore_mem>>) src(%dma_wait3A_10 : memref<144xi32, #tpu.memory_space<hbm>>) dst(%arg5 : memref<144xi32, #tpu.memory_space<vmem>>)
      tpu.yield
    }) : () -> ()
    %dma_start3A = arith.constant 0 : i32
    %dma_start3A_3 = arith.constant 0 : i32
    %dma_start3A_4 = tpu.memref_slice %arg2[%dma_start3A, %dma_start3A_3] : memref<8192x32xf32, #tpu.memory_space<hbm>> -> memref<8192x32xf32, #tpu.memory_space<hbm>>
    tpu.enqueue_indirect_dma source(%dma_start3A_4 : memref<8192x32xf32, #tpu.memory_space<hbm>>) target(%arg6 : memref<144x32xf32, #tpu.memory_space<vmem>>) offsets(%arg5 : memref<144xi32, #tpu.memory_space<vmem>>) semaphore(%arg7 : memref<!tpu.dma_semaphore, #tpu.memory_space<semaphore_mem>>)
    %dma_wait3A = arith.constant 0 : i32
    %dma_wait3A_5 = arith.constant 0 : i32
    %dma_wait3A_6 = tpu.memref_slice %arg2[%dma_wait3A, %dma_wait3A_5] : memref<8192x32xf32, #tpu.memory_space<hbm>> -> memref<8192x32xf32, #tpu.memory_space<hbm>>
    tpu.wait_indirect_dma semaphore(%arg7 : memref<!tpu.dma_semaphore, #tpu.memory_space<semaphore_mem>>) src(%dma_wait3A_6 : memref<8192x32xf32, #tpu.memory_space<hbm>>) dst(%arg6 : memref<144x32xf32, #tpu.memory_space<vmem>>)
    "tpu.region"() ({
      %run_scoped3A = tpu.sem_alloc : memref<!tpu.dma_semaphore, #tpu.memory_space<semaphore_mem>>
      %dma_start3A_7 = arith.constant 0 : i32
      %dma_start3A_8 = tpu.memref_slice %arg4[%mul3A_2, %dma_start3A_7] : memref<4608x32xf32, #tpu.memory_space<hbm>> -> memref<144x32xf32, #tpu.memory_space<hbm>>
      %dma_start3A_9 = arith.constant 0 : i32
      %dma_start3A_10 = tpu.memref_slice %arg4[%mul3A_2, %dma_start3A_9] : memref<4608x32xf32, #tpu.memory_space<hbm>> -> memref<144x32xf32, #tpu.memory_space<hbm>>
      tpu.enqueue_dma source(%arg6 : memref<144x32xf32, #tpu.memory_space<vmem>>) target(%dma_start3A_10 : memref<144x32xf32, #tpu.memory_space<hbm>>) target_semaphore(%run_scoped3A : memref<!tpu.dma_semaphore, #tpu.memory_space<semaphore_mem>>)
      %dma_wait3A_11 = arith.constant 0 : i32
      %dma_wait3A_12 = tpu.memref_slice %arg4[%mul3A_2, %dma_wait3A_11] : memref<4608x32xf32, #tpu.memory_space<hbm>> -> memref<144x32xf32, #tpu.memory_space<hbm>>
      %dma_wait3A_13 = arith.constant 0 : i32
      %dma_wait3A_14 = tpu.memref_slice %arg4[%mul3A_2, %dma_wait3A_13] : memref<4608x32xf32, #tpu.memory_space<hbm>> -> memref<144x32xf32, #tpu.memory_space<hbm>>
      tpu.wait_dma2 semaphore(%run_scoped3A : memref<!tpu.dma_semaphore, #tpu.memory_space<semaphore_mem>>) src(%arg6 : memref<144x32xf32, #tpu.memory_space<vmem>>) dst(%dma_wait3A_14 : memref<144x32xf32, #tpu.memory_space<hbm>>)
      tpu.yield
    }) : () -> ()
    return
  }
}

module attributes {stable_mosaic.version = 14 : i64} {
  func.func @_argmin_body(%arg0: i32, %arg1: memref<1x576x32xf32, #tpu.memory_space<vmem>>, %arg2: memref<8192x32xf32, #tpu.memory_space<vmem>>, %arg3: memref<1x1x576xf32, #tpu.memory_space<vmem>>, %arg4: memref<8192xf32, #tpu.memory_space<vmem>>, %arg5: memref<8192xf32, #tpu.memory_space<vmem>>, %arg6: memref<1x1x576xi32, #tpu.memory_space<vmem>>, %arg7: memref<576x8192xf32, #tpu.memory_space<vmem>>) attributes {dimension_semantics = [#tpu.dimension_semantics<arbitrary>], iteration_bounds = array<i64: 8>, scalar_prefetch = 0 : i64, scratch_operands = 1 : i64, tpu.core_type = #tpu.core_type<tc>, window_params = [{transform_indices = @transform_0, window_bounds = array<i64: 1, 576, 32>}, {pipeline_mode = #tpu.pipeline_mode<synchronous>, transform_indices = @transform_1, window_bounds = array<i64: 8192, 32>}, {transform_indices = @transform_2, window_bounds = array<i64: 1, 1, 576>}, {pipeline_mode = #tpu.pipeline_mode<synchronous>, transform_indices = @transform_3, window_bounds = array<i64: 8192>}, {pipeline_mode = #tpu.pipeline_mode<synchronous>, transform_indices = @transform_4, window_bounds = array<i64: 8192>}, {transform_indices = @transform_5, window_bounds = array<i64: 1, 1, 576>}]} {
    %get3A = arith.constant 0 : index
    %get3A_0 = arith.constant 0 : index
    %get3A_1 = arith.constant 0 : index
    %get3A_2 = vector.load %arg1[%get3A, %get3A_0, %get3A_1] : memref<1x576x32xf32, #tpu.memory_space<vmem>>, vector<1x576x32xf32>
    %get3A_3 = vector.shape_cast %get3A_2 : vector<1x576x32xf32> to vector<576x32xf32>
    %mul3A = arith.constant -2.000000e+00 : f32
    %mul3A_4 = vector.broadcast %mul3A : f32 to vector<576x32xf32>
    %mul3A_5 = arith.mulf %mul3A_4, %get3A_3 : vector<576x32xf32>
    %get3A_6 = arith.constant 0 : index
    %get3A_7 = arith.constant 0 : index
    %get3A_8 = arith.constant 0 : index
    %get3A_9 = vector.load %arg3[%get3A_6, %get3A_7, %get3A_8] : memref<1x1x576xf32, #tpu.memory_space<vmem>>, vector<1x1x576xf32>
    %get3A_10 = vector.shape_cast %get3A_9 : vector<1x1x576xf32> to vector<1x576xf32>
    %reshape3A = vector.shape_cast %get3A_10 : vector<1x576xf32> to vector<576x1xf32>
    %get3A_11 = arith.constant 0 : index
    %get3A_12 = vector.load %arg5[%get3A_11] : memref<8192xf32, #tpu.memory_space<vmem>>, vector<8192xf32>
    %reshape3A_13 = vector.shape_cast %get3A_12 : vector<8192xf32> to vector<1x8192xf32>
    %get3A_14 = arith.constant 0 : index
    %get3A_15 = arith.constant 0 : index
    %get3A_16 = vector.load %arg2[%get3A_14, %get3A_15] : memref<8192x32xf32, #tpu.memory_space<vmem>>, vector<2048x32xf32>
    %dot_general3A = arith.constant dense<0.000000e+00> : vector<576x2048xf32>
    %dot_general3A_17 = tpu.matmul %mul3A_5, %get3A_16, %dot_general3A {dimension_numbers = #tpu.dot_dimension_numbers<[1], [1], [0], [0], [0, 0, 1, 0], [], []>, transpose_lhs_hint = false} : vector<576x32xf32>, vector<2048x32xf32>, vector<576x2048xf32> -> vector<576x2048xf32>
    %get3A_18 = arith.constant 0 : index
    %get3A_19 = vector.load %arg4[%get3A_18] : memref<8192xf32, #tpu.memory_space<vmem>>, vector<2048xf32>
    %reshape3A_20 = vector.shape_cast %get3A_19 : vector<2048xf32> to vector<1x2048xf32>
    %add3A = vector.broadcast %reshape3A : vector<576x1xf32> to vector<576x2048xf32>
    %add3A_21 = vector.broadcast %reshape3A_20 : vector<1x2048xf32> to vector<576x2048xf32>
    %add3A_22 = arith.addf %add3A, %add3A_21 : vector<576x2048xf32>
    %add3A_23 = arith.addf %add3A_22, %dot_general3A_17 : vector<576x2048xf32>
    %swap3A = arith.constant 0 : index
    %swap3A_24 = arith.constant 0 : index
    %swap3A_25 = vector.load %arg7[%swap3A, %swap3A_24] : memref<576x8192xf32, #tpu.memory_space<vmem>>, vector<576x2048xf32>
    tpu.vector_store %arg7[%swap3A, %swap3A_24], %add3A_23 {strides = array<i32>} : memref<576x8192xf32, #tpu.memory_space<vmem>>, vector<576x2048xf32>,
    %reduce_min3A = arith.constant dense<0x7F800000> : vector<576xf32>
    %reduce_min3A_26 = vector.multi_reduction <minimumf>, %add3A_23, %reduce_min3A [1] : vector<576x2048xf32> to vector<576xf32>
    %broadcast_in_dim3A = vector.shape_cast %reduce_min3A_26 : vector<576xf32> to vector<576x1xf32>
    %get3A_27 = arith.constant 2048 : index
    %get3A_28 = arith.constant 0 : index
    %get3A_29 = vector.load %arg2[%get3A_27, %get3A_28] : memref<8192x32xf32, #tpu.memory_space<vmem>>, vector<2048x32xf32>
    %dot_general3A_30 = arith.constant dense<0.000000e+00> : vector<576x2048xf32>
    %dot_general3A_31 = tpu.matmul %mul3A_5, %get3A_29, %dot_general3A_30 {dimension_numbers = #tpu.dot_dimension_numbers<[1], [1], [0], [0], [0, 0, 1, 0], [], []>, transpose_lhs_hint = false} : vector<576x32xf32>, vector<2048x32xf32>, vector<576x2048xf32> -> vector<576x2048xf32>
    %get3A_32 = arith.constant 2048 : index
    %get3A_33 = vector.load %arg4[%get3A_32] : memref<8192xf32, #tpu.memory_space<vmem>>, vector<2048xf32>
    %reshape3A_34 = vector.shape_cast %get3A_33 : vector<2048xf32> to vector<1x2048xf32>
    %add3A_35 = vector.broadcast %reshape3A : vector<576x1xf32> to vector<576x2048xf32>
    %add3A_36 = vector.broadcast %reshape3A_34 : vector<1x2048xf32> to vector<576x2048xf32>
    %add3A_37 = arith.addf %add3A_35, %add3A_36 : vector<576x2048xf32>
    %add3A_38 = arith.addf %add3A_37, %dot_general3A_31 : vector<576x2048xf32>
    %swap3A_39 = arith.constant 0 : index
    %swap3A_40 = arith.constant 2048 : index
    %swap3A_41 = vector.load %arg7[%swap3A_39, %swap3A_40] : memref<576x8192xf32, #tpu.memory_space<vmem>>, vector<576x2048xf32>
    tpu.vector_store %arg7[%swap3A_39, %swap3A_40], %add3A_38 {strides = array<i32>} : memref<576x8192xf32, #tpu.memory_space<vmem>>, vector<576x2048xf32>,
    %reduce_min3A_42 = arith.constant dense<0x7F800000> : vector<576xf32>
    %reduce_min3A_43 = vector.multi_reduction <minimumf>, %add3A_38, %reduce_min3A_42 [1] : vector<576x2048xf32> to vector<576xf32>
    %broadcast_in_dim3A_44 = vector.shape_cast %reduce_min3A_43 : vector<576xf32> to vector<576x1xf32>
    %min3A = arith.minimumf %broadcast_in_dim3A, %broadcast_in_dim3A_44 : vector<576x1xf32>
    %get3A_45 = arith.constant 4096 : index
    %get3A_46 = arith.constant 0 : index
    %get3A_47 = vector.load %arg2[%get3A_45, %get3A_46] : memref<8192x32xf32, #tpu.memory_space<vmem>>, vector<2048x32xf32>
    %dot_general3A_48 = arith.constant dense<0.000000e+00> : vector<576x2048xf32>
    %dot_general3A_49 = tpu.matmul %mul3A_5, %get3A_47, %dot_general3A_48 {dimension_numbers = #tpu.dot_dimension_numbers<[1], [1], [0], [0], [0, 0, 1, 0], [], []>, transpose_lhs_hint = false} : vector<576x32xf32>, vector<2048x32xf32>, vector<576x2048xf32> -> vector<576x2048xf32>
    %get3A_50 = arith.constant 4096 : index
    %get3A_51 = vector.load %arg4[%get3A_50] : memref<8192xf32, #tpu.memory_space<vmem>>, vector<2048xf32>
    %reshape3A_52 = vector.shape_cast %get3A_51 : vector<2048xf32> to vector<1x2048xf32>
    %add3A_53 = vector.broadcast %reshape3A : vector<576x1xf32> to vector<576x2048xf32>
    %add3A_54 = vector.broadcast %reshape3A_52 : vector<1x2048xf32> to vector<576x2048xf32>
    %add3A_55 = arith.addf %add3A_53, %add3A_54 : vector<576x2048xf32>
    %add3A_56 = arith.addf %add3A_55, %dot_general3A_49 : vector<576x2048xf32>
    %swap3A_57 = arith.constant 0 : index
    %swap3A_58 = arith.constant 4096 : index
    %swap3A_59 = vector.load %arg7[%swap3A_57, %swap3A_58] : memref<576x8192xf32, #tpu.memory_space<vmem>>, vector<576x2048xf32>
    tpu.vector_store %arg7[%swap3A_57, %swap3A_58], %add3A_56 {strides = array<i32>} : memref<576x8192xf32, #tpu.memory_space<vmem>>, vector<576x2048xf32>,
    %reduce_min3A_60 = arith.constant dense<0x7F800000> : vector<576xf32>
    %reduce_min3A_61 = vector.multi_reduction <minimumf>, %add3A_56, %reduce_min3A_60 [1] : vector<576x2048xf32> to vector<576xf32>
    %broadcast_in_dim3A_62 = vector.shape_cast %reduce_min3A_61 : vector<576xf32> to vector<576x1xf32>
    %min3A_63 = arith.minimumf %min3A, %broadcast_in_dim3A_62 : vector<576x1xf32>
    %get3A_64 = arith.constant 6144 : index
    %get3A_65 = arith.constant 0 : index
    %get3A_66 = vector.load %arg2[%get3A_64, %get3A_65] : memref<8192x32xf32, #tpu.memory_space<vmem>>, vector<2048x32xf32>
    %dot_general3A_67 = arith.constant dense<0.000000e+00> : vector<576x2048xf32>
    %dot_general3A_68 = tpu.matmul %mul3A_5, %get3A_66, %dot_general3A_67 {dimension_numbers = #tpu.dot_dimension_numbers<[1], [1], [0], [0], [0, 0, 1, 0], [], []>, transpose_lhs_hint = false} : vector<576x32xf32>, vector<2048x32xf32>, vector<576x2048xf32> -> vector<576x2048xf32>
    %get3A_69 = arith.constant 6144 : index
    %get3A_70 = vector.load %arg4[%get3A_69] : memref<8192xf32, #tpu.memory_space<vmem>>, vector<2048xf32>
    %reshape3A_71 = vector.shape_cast %get3A_70 : vector<2048xf32> to vector<1x2048xf32>
    %add3A_72 = vector.broadcast %reshape3A : vector<576x1xf32> to vector<576x2048xf32>
    %add3A_73 = vector.broadcast %reshape3A_71 : vector<1x2048xf32> to vector<576x2048xf32>
    %add3A_74 = arith.addf %add3A_72, %add3A_73 : vector<576x2048xf32>
    %add3A_75 = arith.addf %add3A_74, %dot_general3A_68 : vector<576x2048xf32>
    %swap3A_76 = arith.constant 0 : index
    %swap3A_77 = arith.constant 6144 : index
    %swap3A_78 = vector.load %arg7[%swap3A_76, %swap3A_77] : memref<576x8192xf32, #tpu.memory_space<vmem>>, vector<576x2048xf32>
    tpu.vector_store %arg7[%swap3A_76, %swap3A_77], %add3A_75 {strides = array<i32>} : memref<576x8192xf32, #tpu.memory_space<vmem>>, vector<576x2048xf32>,
    %reduce_min3A_79 = arith.constant dense<0x7F800000> : vector<576xf32>
    %reduce_min3A_80 = vector.multi_reduction <minimumf>, %add3A_75, %reduce_min3A_79 [1] : vector<576x2048xf32> to vector<576xf32>
    %broadcast_in_dim3A_81 = vector.shape_cast %reduce_min3A_80 : vector<576xf32> to vector<576x1xf32>
    %min3A_82 = arith.minimumf %min3A_63, %broadcast_in_dim3A_81 : vector<576x1xf32>
    %max3A = arith.constant 0.000000e+00 : f32
    %max3A_83 = vector.broadcast %max3A : f32 to vector<576x1xf32>
    %max3A_84 = arith.maximumf %min3A_82, %max3A_83 : vector<576x1xf32>
    %sqrt3A = math.sqrt %max3A_84 : vector<576x1xf32>
    %bitcast_convert_type3A = tpu.bitcast %max3A_84 : vector<576x1xf32> -> vector<576x1xi32>
    %add3A_85 = arith.constant 1 : i32
    %add3A_86 = vector.broadcast %add3A_85 : i32 to vector<576x1xi32>
    %add3A_87 = arith.addi %bitcast_convert_type3A, %add3A_86 : vector<576x1xi32>
    %bitcast_convert_type3A_88 = tpu.bitcast %add3A_87 : vector<576x1xi32> -> vector<576x1xf32>
    %sqrt3A_89 = math.sqrt %bitcast_convert_type3A_88 : vector<576x1xf32>
    %le3A = arith.cmpf ole, %sqrt3A_89, %sqrt3A : vector<576x1xf32>
    %select_n3A = arith.select %le3A, %add3A_87, %bitcast_convert_type3A : vector<576x1xi1>, vector<576x1xi32>
    %add3A_90 = arith.constant 1 : i32
    %add3A_91 = vector.broadcast %add3A_90 : i32 to vector<576x1xi32>
    %add3A_92 = arith.addi %select_n3A, %add3A_91 : vector<576x1xi32>
    %bitcast_convert_type3A_93 = tpu.bitcast %add3A_92 : vector<576x1xi32> -> vector<576x1xf32>
    %sqrt3A_94 = math.sqrt %bitcast_convert_type3A_93 : vector<576x1xf32>
    %le3A_95 = arith.cmpf ole, %sqrt3A_94, %sqrt3A : vector<576x1xf32>
    %select_n3A_96 = arith.select %le3A_95, %add3A_92, %select_n3A : vector<576x1xi1>, vector<576x1xi32>
    %add3A_97 = arith.constant 1 : i32
    %add3A_98 = vector.broadcast %add3A_97 : i32 to vector<576x1xi32>
    %add3A_99 = arith.addi %select_n3A_96, %add3A_98 : vector<576x1xi32>
    %bitcast_convert_type3A_100 = tpu.bitcast %add3A_99 : vector<576x1xi32> -> vector<576x1xf32>
    %sqrt3A_101 = math.sqrt %bitcast_convert_type3A_100 : vector<576x1xf32>
    %le3A_102 = arith.cmpf ole, %sqrt3A_101, %sqrt3A : vector<576x1xf32>
    %select_n3A_103 = arith.select %le3A_102, %add3A_99, %select_n3A_96 : vector<576x1xi1>, vector<576x1xi32>
    %add3A_104 = arith.constant 1 : i32
    %add3A_105 = vector.broadcast %add3A_104 : i32 to vector<576x1xi32>
    %add3A_106 = arith.addi %select_n3A_103, %add3A_105 : vector<576x1xi32>
    %bitcast_convert_type3A_107 = tpu.bitcast %add3A_106 : vector<576x1xi32> -> vector<576x1xf32>
    %sqrt3A_108 = math.sqrt %bitcast_convert_type3A_107 : vector<576x1xf32>
    %le3A_109 = arith.cmpf ole, %sqrt3A_108, %sqrt3A : vector<576x1xf32>
    %select_n3A_110 = arith.select %le3A_109, %add3A_106, %select_n3A_103 : vector<576x1xi1>, vector<576x1xi32>
    %add3A_111 = arith.constant 1 : i32
    %add3A_112 = vector.broadcast %add3A_111 : i32 to vector<576x1xi32>
    %add3A_113 = arith.addi %select_n3A_110, %add3A_112 : vector<576x1xi32>
    %bitcast_convert_type3A_114 = tpu.bitcast %add3A_113 : vector<576x1xi32> -> vector<576x1xf32>
    %sqrt3A_115 = math.sqrt %bitcast_convert_type3A_114 : vector<576x1xf32>
    %le3A_116 = arith.cmpf ole, %sqrt3A_115, %sqrt3A : vector<576x1xf32>
    %select_n3A_117 = arith.select %le3A_116, %add3A_113, %select_n3A_110 : vector<576x1xi1>, vector<576x1xi32>
    %add3A_118 = arith.constant 1 : i32
    %add3A_119 = vector.broadcast %add3A_118 : i32 to vector<576x1xi32>
    %add3A_120 = arith.addi %select_n3A_117, %add3A_119 : vector<576x1xi32>
    %bitcast_convert_type3A_121 = tpu.bitcast %add3A_120 : vector<576x1xi32> -> vector<576x1xf32>
    %sqrt3A_122 = math.sqrt %bitcast_convert_type3A_121 : vector<576x1xf32>
    %le3A_123 = arith.cmpf ole, %sqrt3A_122, %sqrt3A : vector<576x1xf32>
    %select_n3A_124 = arith.select %le3A_123, %add3A_120, %select_n3A_117 : vector<576x1xi1>, vector<576x1xi32>
    %add3A_125 = arith.constant 1 : i32
    %add3A_126 = vector.broadcast %add3A_125 : i32 to vector<576x1xi32>
    %add3A_127 = arith.addi %select_n3A_124, %add3A_126 : vector<576x1xi32>
    %bitcast_convert_type3A_128 = tpu.bitcast %add3A_127 : vector<576x1xi32> -> vector<576x1xf32>
    %sqrt3A_129 = math.sqrt %bitcast_convert_type3A_128 : vector<576x1xf32>
    %le3A_130 = arith.cmpf ole, %sqrt3A_129, %sqrt3A : vector<576x1xf32>
    %select_n3A_131 = arith.select %le3A_130, %add3A_127, %select_n3A_124 : vector<576x1xi1>, vector<576x1xi32>
    %add3A_132 = arith.constant 1 : i32
    %add3A_133 = vector.broadcast %add3A_132 : i32 to vector<576x1xi32>
    %add3A_134 = arith.addi %select_n3A_131, %add3A_133 : vector<576x1xi32>
    %bitcast_convert_type3A_135 = tpu.bitcast %add3A_134 : vector<576x1xi32> -> vector<576x1xf32>
    %sqrt3A_136 = math.sqrt %bitcast_convert_type3A_135 : vector<576x1xf32>
    %le3A_137 = arith.cmpf ole, %sqrt3A_136, %sqrt3A : vector<576x1xf32>
    %select_n3A_138 = arith.select %le3A_137, %add3A_134, %select_n3A_131 : vector<576x1xi1>, vector<576x1xi32>
    %bitcast_convert_type3A_139 = tpu.bitcast %select_n3A_138 : vector<576x1xi32> -> vector<576x1xf32>
    %gt3A = arith.constant 0.000000e+00 : f32
    %gt3A_140 = vector.broadcast %gt3A : f32 to vector<576x1xf32>
    %gt3A_141 = arith.cmpf ogt, %min3A_82, %gt3A_140 : vector<576x1xf32>
    %jit3A = arith.constant 0.000000e+00 : f32
    %broadcast_in_dim3A_142 = vector.broadcast %jit3A : f32 to vector<576x1xf32>
    %select_n3A_143 = arith.select %gt3A_141, %bitcast_convert_type3A_139, %broadcast_in_dim3A_142 : vector<576x1xi1>, vector<576x1xf32>
    %get3A_144 = arith.constant 0 : index
    %get3A_145 = arith.constant 0 : index
    %get3A_146 = vector.load %arg7[%get3A_144, %get3A_145] : memref<576x8192xf32, #tpu.memory_space<vmem>>, vector<576x8192xf32>
    %le3A_147 = vector.broadcast %select_n3A_143 : vector<576x1xf32> to vector<576x8192xf32>
    %le3A_148 = arith.cmpf ole, %get3A_146, %le3A_147 : vector<576x8192xf32>
    %jit3A_149 = arith.constant 8.192000e+03 : f32
    %broadcast_in_dim3A_150 = vector.shape_cast %reshape3A_13 : vector<1x8192xf32> to vector<1x8192xf32>
    %broadcast_in_dim3A_151 = vector.broadcast %broadcast_in_dim3A_150 : vector<1x8192xf32> to vector<576x8192xf32>
    %broadcast_in_dim3A_152 = vector.broadcast %jit3A_149 : f32 to vector<576x8192xf32>
    %select_n3A_153 = arith.select %le3A_148, %broadcast_in_dim3A_151, %broadcast_in_dim3A_152 : vector<576x8192xi1>, vector<576x8192xf32>
    %reduce_min3A_154 = arith.constant dense<0x7F800000> : vector<576xf32>
    %reduce_min3A_155 = vector.multi_reduction <minimumf>, %select_n3A_153, %reduce_min3A_154 [1] : vector<576x8192xf32> to vector<576xf32>
    %convert_element_type3A = arith.fptosi %reduce_min3A_155 : vector<576xf32> to vector<576xi32>
    %swap3A_156 = arith.constant 0 : index
    %swap3A_157 = arith.constant 0 : index
    %swap3A_158 = arith.constant 0 : index
    %swap3A_159 = vector.load %arg6[%swap3A_156, %swap3A_157, %swap3A_158] : memref<1x1x576xi32, #tpu.memory_space<vmem>>, vector<1x1x576xi32>
    %swap3A_160 = vector.shape_cast %swap3A_159 : vector<1x1x576xi32> to vector<576xi32>
    %swap3A_161 = vector.shape_cast %convert_element_type3A : vector<576xi32> to vector<1x1x576xi32>
    tpu.vector_store %arg6[%swap3A_156, %swap3A_157, %swap3A_158], %swap3A_161 {strides = array<i32>} : memref<1x1x576xi32, #tpu.memory_space<vmem>>, vector<1x1x576xi32>,
    return
  }
  func.func @transform_0(%arg0: i32) -> (i32, i32, i32) {
    %c0_i32 = arith.constant 0 : i32
    %c0_i32_0 = arith.constant 0 : i32
    %c0_i32_1 = arith.constant 0 : i32
    return %arg0, %c0_i32, %c0_i32_0 : i32, i32, i32
  }
  func.func @transform_1(%arg0: i32) -> (i32, i32) {
    %c0_i32 = arith.constant 0 : i32
    %c0_i32_0 = arith.constant 0 : i32
    %c0_i32_1 = arith.constant 0 : i32
    return %c0_i32, %c0_i32_0 : i32, i32
  }
  func.func @transform_2(%arg0: i32) -> (i32, i32, i32) {
    %c0_i32 = arith.constant 0 : i32
    %c0_i32_0 = arith.constant 0 : i32
    %c0_i32_1 = arith.constant 0 : i32
    return %arg0, %c0_i32, %c0_i32_0 : i32, i32, i32
  }
  func.func @transform_3(%arg0: i32) -> i32 {
    %c0_i32 = arith.constant 0 : i32
    %c0_i32_0 = arith.constant 0 : i32
    return %c0_i32 : i32
  }
  func.func @transform_4(%arg0: i32) -> i32 {
    %c0_i32 = arith.constant 0 : i32
    %c0_i32_0 = arith.constant 0 : i32
    return %c0_i32 : i32
  }
  func.func @transform_5(%arg0: i32) -> (i32, i32, i32) {
    %c0_i32 = arith.constant 0 : i32
    %c0_i32_0 = arith.constant 0 : i32
    %c0_i32_1 = arith.constant 0 : i32
    return %arg0, %c0_i32, %c0_i32_0 : i32, i32, i32
  }
}

</mosaic_0001>

<sc_bundles>
// kernel: kernel.4.cloned.1.call-start
scs
__scs_entry_jumppad:
0x0: {  	(pc) =	sbr.rel $0x88, $3  }
0x1: {  	(tag) =	ssettag $0x0;
	lr =	simm.s32 $0x1  }
0x2: {  	[smem:$0x3F9F] =	sst lr;
	_ =	strace $0xD0000000  }
0x3: {  	_ = 	snop  }
0x4: {  	_ = 	snop  }
0x5: {  	_ = 	snop  }
0x6: {  	_ = 	snop  }
0x7: {  	_ = 	snop  }
__scs_overlays_trampoline_lowered:
0x8: {  	[smem:$0x3FAE] =	sst s0  }
0x9: {  	[smem:$0x3FAF] =	sst s1  }
0xa: {  	[smem:$0x3FB0] =	sst s2  }
0xb: {  	[smem:$0x3FB1] =	sst s3  }
0xc: {  	[smem:$0x3FB2] =	sst s4  }
0xd: {  	[smem:$0x3FB3] =	sst s5  }
0xe: {  	[smem:$0x3FB4] =	sst s6  }
0xf: {  	[smem:$0x3FB5] =	sst s7  }
0x10: {  	[smem:$0x3FB6] =	sst s8  }
0x11: {  	[smem:$0x3FB7] =	sst s9;
	s0 =	simm.s32 @!p0 $0x0  }
0x12: {  	s1 =	sld [smem:$0x3F9D];
	s0 =	simm.s32 @p0 $0x1  }
0x13: {  	[smem:$0x3FB8] =	sst s0;
	s0 =	simm.s32 @!p1 $0x0  }
0x14: {  	s2 =	sld [smem:$0x3F9C];
	s0 =	simm.s32 @p1 $0x1  }
0x15: {  	[smem:$0x3FB9] =	sst s0;
	s0 =	simm.s32 @!p2 $0x0  }
0x16: {  	s3 =	sld [smem:$0x3FDB];
	s0 =	simm.s32 @p2 $0x1  }
0x17: {  	s4 =	simm.s32 $0x1BF5;
	[smem:$0x3FBB] =	sst s0  }
0x18: {  	s0 =	sld [smem:$0x3F9E];
	_ =	swait.ge [sflag:s4], $0x0  }
0x19: {  	s7 =	sld [smem:$0x3F9F]  }
0x1a: {  	s8 =	sadd.s32 $0xFFFFE003, lr  }
0x1b: {  	s9 =	sadd.s32 $0xFFFFFEF7, lr;
	s5 =	simm.s32 $0xFFFFFFFF;
	p2 =	slt.u32 s8, $0xFFFFF086  }
0x1c: {  	p1 =	slt.u32 s9, $0xF7A;
	s5 =	simm.s32 @!p2 $0x0  }
0x1d: {  	s5 =	simm.s32 @p1 $0x1;
	p0 =	seq.s32 s7, s2  }
0x1e: {  	s7 =	smul.u32 @!p0 $0xF7A, s2;
	p2 =	seq.s32 @!p0 s5, $0x0  }
0x1f: {  	s9 =	smul.u32 $0xF7A, s1;
	s8 =	simm.s32 @!p0 $0x1BF5;
	p2 =	por !p2, p0  }
0x20: {  	[sflag:s8] =	ssyncset.s32 @!p0 $0xFFFFF086;
	s6 =	sadd.s32 @!p0 s3, s7;
	s7 =	simm.s32 @!p0 $0x108  }
0x21: {  	s3 =	sadd.s32 s3, s9;
	s6 =	sadd.s32 @!p0 $0x88, s6;
	s7 =	simm.s32 @p2 $0x1082  }
0x22: {  	[simem:s7], [sflag:s8] =	dma.local @!p0 [hbm:s6], $0xF7A  }
0x23: {  	s9 =	sor.u32 $0xD0000000, s2;
	s6 =	simm.s32 $0x108;
	_ =	swait.ge @!p0 [sflag:s8], $0x0  }
0x24: {  	s3 =	sadd.s32 $0x88, s3;
	s6 =	simm.s32 @!p1 $0x1082;
	[sflag:s4] =	ssyncset.s32 $0xFFFFF086  }
0x25: {  	[simem:s6], [sflag:s4] =	dma.local [hbm:s3], $0xF7A  }
0x26: {  	[smem:$0x3F9F] =	sst s1;
	(tag) =	ssettag s2;
	_ =	strace s9  }
0x27: {  	s1 =	sld [smem:$0x3FAF]  }
0x28: {  	s2 =	sld [smem:$0x3FB0]  }
0x29: {  	s4 =	sld [smem:$0x3FB2]  }
0x2a: {  	p0 =	seq.s32 s5, $0x0;
	s5 =	sld [smem:$0x3FB3]  }
0x2b: {  	s6 =	sld [smem:$0x3FB4]  }
0x2c: {  	s7 =	sld [smem:$0x3FB5]  }
0x2d: {  	s3 =	simm.s32 $0x108;
	s8 =	sld [smem:$0x3FB6]  }
0x2e: {  	s3 =	simm.s32 @!p0 $0x1082;
	s9 =	sld [smem:$0x3FB7]  }
0x2f: {  	lr =	sadd.s32 s0, s3;
	s0 =	sld [smem:$0x3FAE]  }
0x30: {  	s3 =	sld [smem:$0x3FB1]  }
0x31: {  	[smem:$0x3FBA] =	sst s10  }
0x32: {  	s10 =	sld [smem:$0x3FB8];
	_ =	sdelay $0x3  }
0x33: {  	p0 =	seq.s32 s10, $0x1;
	s10 =	sld [smem:$0x3FBA];
	_ =	sdelay $0x3  }
0x34: {  	[smem:$0x3FBA] =	sst s10  }
0x35: {  	s10 =	sld [smem:$0x3FB9];
	_ =	sdelay $0x3  }
0x36: {  	p1 =	seq.s32 s10, $0x1;
	s10 =	sld [smem:$0x3FBA];
	_ =	sdelay $0x3  }
0x37: {  	[smem:$0x3FBA] =	sst s10  }
0x38: {  	s10 =	sld [smem:$0x3FBB]  }
0x39: {  	_ = 	snop;
	(pc) =	sbr.ind lr, $3  }
0x3a: {  	_ = 	snop  }
0x3b: {  	_ = 	snop  }
0x3c: {  	p2 =	seq.s32 s10, $0x1;
	s10 =	sld [smem:$0x3FBA]  }
0x3d: {  	_ =	shalt  }
0x3e: {  	_ =	shalt  }
0x3f: {  	_ =	shalt  }
0x40: {  	_ =	shalt  }
0x41: {  	_ =	shalt  }
0x42: {  	_ =	shalt  }
0x43: {  	_ =	shalt  }
0x44: {  	_ =	shalt  }
0x45: {  	_ =	shalt  }
0x46: {  	_ =	shalt  }
0x47: {  	_ =	shalt  }
0x48: {  	_ =	shalt  }
0x49: {  	_ =	shalt  }
0x4a: {  	_ =	shalt  }
0x4b: {  	_ =	shalt  }
0x4c: {  	_ =	shalt  }
0x4d: {  	_ =	shalt  }
0x4e: {  	_ =	shalt  }
0x4f: {  	_ =	shalt  }
0x50: {  	_ =	shalt  }
0x51: {  	_ =	shalt  }
0x52: {  	_ =	shalt  }
0x53: {  	_ =	shalt  }
0x54: {  	_ =	shalt  }
0x55: {  	_ =	shalt  }
0x56: {  	_ =	shalt  }
0x57: {  	_ =	shalt  }
0x58: {  	_ =	shalt  }
0x59: {  	_ =	shalt  }
0x5a: {  	_ =	shalt  }
0x5b: {  	_ =	shalt  }
0x5c: {  	_ =	shalt  }
0x5d: {  	_ =	shalt  }
0x5e: {  	_ =	shalt  }
0x5f: {  	_ =	shalt  }
0x60: {  	_ =	shalt  }
0x61: {  	_ =	shalt  }
0x62: {  	_ =	shalt  }
0x63: {  	_ =	shalt  }
0x64: {  	_ =	shalt  }
0x65: {  	_ =	shalt  }
0x66: {  	_ =	shalt  }
0x67: {  	_ =	shalt  }
0x68: {  	_ =	shalt  }
0x69: {  	_ =	shalt  }
0x6a: {  	_ =	shalt  }
0x6b: {  	_ =	shalt  }
0x6c: {  	_ =	shalt  }
0x6d: {  	_ =	shalt  }
0x6e: {  	_ =	shalt  }
0x6f: {  	_ =	shalt  }
0x70: {  	_ =	shalt  }
0x71: {  	_ =	shalt  }
0x72: {  	_ =	shalt  }
0x73: {  	_ =	shalt  }
0x74: {  	_ =	shalt  }
0x75: {  	_ =	shalt  }
0x76: {  	_ =	shalt  }
0x77: {  	_ =	shalt  }
0x78: {  	_ =	shalt  }
0x79: {  	_ =	shalt  }
0x7a: {  	_ =	shalt  }
0x7b: {  	_ =	shalt  }
0x7c: {  	_ =	shalt  }
0x7d: {  	_ =	shalt  }
0x7e: {  	_ =	shalt  }
0x7f: {  	_ =	shalt  }
0x80: {  	_ =	shalt  }
0x81: {  	_ =	shalt  }
0x82: {  	_ =	shalt  }
0x83: {  	_ =	shalt  }
0x84: {  	_ =	shalt  }
0x85: {  	_ =	shalt  }
0x86: {  	_ =	shalt  }
0x87: {  	_ =	shalt  }
.Lfunc_end0:
.L_simem_size_0:
called_computation_lowered:
.L_overlay_start_0:
0x88: {  	s2 =	sld [smem:$0x3FD9]  }
0x89: {  	s3 =	sld [smem:$0x3FFE];
	_ =	sdelay $0x1  }
0x8a: {  	s1 =	srdreg.scid  }
0x8b: {  	s0 =	sand.u32 $0x1, s1  }
0x8c: {  	s17 =	sshll.u32 s0, $0xA;
	s2 =	sadd.s32 s3, s2  }
0x8d: {  	s2 =	sadd.s32 s2, s17  }
0x8e: {  	[smem:$0x3FC6] =	sst s2  }
0x8f: {  	_ = 	snop  }
0x90: {  	s2 =	sld [smem:$0x3FD0];
	(tm) =	ssettm $0x1  }
0x91: {  	s18 =	sld [smem:$0x3FFB];
	_ =	sdelay $0x3  }
0x92: {  	_ =	strace s18  }
0x93: {  	s3 =	sld [smem:$0x3FFC];
	_ =	sdelay $0x3  }
0x94: {  	_ =	strace s3  }
0x95: {  	s3 =	sld [smem:$0x3FFD];
	_ =	sdelay $0x3  }
0x96: {  	_ =	strace s3  }
0x97: {  	_ =	strace $0x8FFFFFFF  }
0x98: {  	s19 =	sld [smem:$0x3FDB];
	_ =	sdelay $0x1  }
0x99: {  	s4 =	simm.s32 $_scs_section_size  }
0x9a: {  	s5 =	simm.s32 $_size__tile_overlayer_lowered;
	s6 =	simm.s32 $_tile_overlayer_lowered  }
0x9b: {  	s22 =	simm.s32 $0x1BFF;
	s21 =	sshll.u32 s6, $0x1;
	s3 =	sadd.s32 s4, s19  }
0x9c: {  	s7 =	simm.s32 $0x0;
	s20 =	sshll.u32 s5, $0x1;
	s5 =	sadd.s32 s21, s3  }
0x9d: {  	[timem:s7], [sflag:s22] =	dma.local [hbm:s5], s20  }
0x9e: {  	_ =	swait.ge [sflag:s22], s20  }
0x9f: {  	s4 =	ssub.s32 $0x0, s20;
	[sflag:s22] =	ssyncset.done $0x0  }
0xa0: {  	[sflag:s22] =	ssyncadd.s32 s4;
	_ =	sdelay $0x1  }
0xa1: {  	s23 =	simm.s32 $0x1B8B  }
0xa2: {  	_ =	swait.ge [sflag:s23], $0x1  }
0xa3: {  	[sflag:s23] =	ssyncset.done $0x0  }
0xa4: {  	s25 =	simm.s32 $0x1B8E;
	s24 =	sld [smem:$0x3FFE];
	[sflag:s23] =	ssyncadd.s32 $0xFFFFFFFF  }
0xa5: {  	s26 =	simm.s32 $execute0_lowered;
	[smem:$0x3FD2] =	sst s25  }
0xa6: {  	s5 =	sshll.u32 s26, $0x1;
	_ =	strace $0x80000046;
	[dreg:$0x1] =	wrdreg $0xFFFFFFFF  }
0xa7: {  	s28 =	simm.s32 $_size_execute0_lowered;
	s3 =	sadd.s32 s3, s5;
	[dreg:$0x0] =	wrdreg $0x0  }
0xa8: {  	s5 =	sshll.u32 s28, $0x1;
	[dreg:$0x2] =	wrdreg s3  }
0xa9: {  	[dreg:$0x3] =	wrdreg s5  }
0xaa: {  	[dreg:$0x4] =	wrdreg $0xC0  }
0xab: {  	_ =	task [dreg:s7], $0x5FFFF  }
0xac: {  	[dreg:$0x1] =	wrdreg $0xFFFFFFFF  }
0xad: {  	[dreg:$0x0] =	wrdreg $0x60  }
0xae: {  	[dreg:$0x2] =	wrdreg s24  }
0xaf: {  	[dreg:$0x3] =	wrdreg s2  }
0xb0: {  	[dreg:$0x4] =	wrdreg $0x9  }
0xb1: {  	_ =	task.clear_ibuf [dreg:s7], $0x5FFFF;
	_ =	strace $0x90000046  }
0xb2: {  	s29 =	simm.s32 $0x9;
	_ =	strace $0x80000048  }
0xb3: {  	_ =	swait.ge [sflag:s29], $0x1  }
0xb4: {  	[sflag:s29] =	ssyncadd.s32 $0xFFFFFFFF  }
0xb5: {  	_ =	strace $0x90000048  }
0xb6: {  	_ =	sfence  }
0xb7: {  	s30 =	sld [smem:$0x0];
	_ =	sdelay $0x2  }
0xb8: {  	s31 =	sshll.u32 s1, $0xD;
	s1 =	sshrl.u32 s1, $0x2  }
0xb9: {  	s3 =	sand.u32 $0x4000, s31;
	s1 =	sadd.s32 s1, s30  }
0xba: {  	s0 =	sor.u32 s3, s0;
	s1 =	sshll.u32 s1, $0x11  }
0xbb: {  	s0 =	sor.u32 s1, s0  }
0xbc: {  	s0 =	sadd.s32 $0x8F2B, s0  }
0xbd: {  	[sflag:s0] =	ssyncadd.remote.s32 $0x1  }
0xbe: {  	_ =	sfence.sel $0xFFFF  }
0xbf: {  	[dreg:$0x0] =	wrdreg $0xFFFFFFFF;
	(pc) =	sbr.abs _section_cstart, $3  }
0xc0: {  	[dreg:$0x1] =	wrdreg $0xFFFFFFFF  }
0xc1: {  	_ =	task.clear_ibuf [dreg:s7], $0x2FFFF;
	_ =	strace $0x9FFFFFFF  }
0xc2: {  	(tm) =	ssettm $0x7FFFFFFF  }
0xc3: {  	_ =	shalt  }
tec
execute0_lowered:
.L_overlay_start_1:
0x0: {  	(tag) =	ssettag $0x1  }
0x1: {  	s1 =	srdreg.scid;
	s0 =	stileid.u32  }
0x2: {  	s6 =	sand.u32 $0x1, s1;
	s30 =	sshll.u32 s0, $0x1  }
0x3: {  	s2 =	rddreg [dreg:$0x0];
	s8 =	sor.u32 s6, s30  }
0x4: {  	s9 =	rddreg [dreg:$0x1];
	s3 =	simm.s32 $0x0;
	s4 =	smul.u32 $0x12, s8  }
0x5: {  	[smem:$0x7FF] =	sst s3  }
0x6: {  	s1 =	rddreg [dreg:$0x2];
	_ =	strace $0x80000047;
	s4 =	sadd.s32 s4, s2  }
0x7: {  	s10 =	ssub.s32 $0x2, s6;
	s5 =	sadd.s32 $0x8000, s4;
	s4 =	simm.s32 $0x2  }
0x8: {  	[tilespmem:s3], [sflag:$0x2] =	stream.linear.gather [hbm4b:s5+s3], $0x90, $0x38;
	[tilespmem:$0x1290] =	vst v63  }
0x9: {  	s11 =	sshrl.u32 s10, $0x1;
	_ =	swait.ge [sflag:s4], $0x90  }
0xa: {  	s7 =	simm.s32 $0x1;
	s10 =	ssub.s32 s10, s11;
	[sflag:s4] =	ssyncset.done $0x0  }
0xb: {  	s6 =	simm.s32 $0x90;
	s31 =	smax.u32 s10, $0x1;
	[sflag:s4] =	ssyncadd.s32 $0xFFFFFF70  }
0xc: {  	[tilespmem:s6], [sflag:$0x1] =	stream.indirect.gather [hbm4b:s2+s6], $0x20, s3, s6, $0xb8;
	[tilespmem:$0x1290] =	vst v63  }
0xd: {  	s8 =	smul.u32 $0x240, s8;
	p0 =	sne.s32 s31, $0x1;
	_ =	swait.ge [sflag:s7], $0x1200  }
.Ltmp0:
0xe: {  	[sflag:s7] =	ssyncset.done $0x0;
	(pc) =	sbr.rel @!p0 .LBB2_2-.Ltmp0, $4  }
0xf: {  	s8 =	sadd.s32 s9, s8;
	[sflag:s7] =	ssyncadd.s32 $0xFFFFEE00  }
0x10: {  	[hbm4b:s8+s3] =	stream.linear.scatter [tilespmem:s6], [sflag:$0x2], $0x1200, $0x38;
	[tilespmem:$0x1290] =	vst v63  }
0x11: {  	_ =	swait.ge [sflag:s4], $0x1200  }
0x12: {  	s9 =	sadd.s32 $0xFFFFFFFF, s31;
	[sflag:s4] =	ssyncset.done $0x0  }
.LBB2_1:
0x13: {  	p0 =	sne.s32 s9, $0x1;
	s9 =	sadd.s32 $0xFFFFFFFF, s9;
	[sflag:s4] =	ssyncadd.s32 $0xFFFFEE00  }
0x14: {  	[tilespmem:s3], [sflag:$0x2] =	stream.linear.gather [hbm4b:s5+s3], $0x90, $0x38;
	[tilespmem:$0x1290] =	vst v63  }
0x15: {  	_ =	swait.ge [sflag:s4], $0x90  }
0x16: {  	[sflag:s4] =	ssyncset.done $0x0  }
0x17: {  	[sflag:s4] =	ssyncadd.s32 $0xFFFFFF70  }
0x18: {  	[tilespmem:s6], [sflag:$0x1] =	stream.indirect.gather [hbm4b:s2+s6], $0x20, s3, s6, $0xb8;
	[tilespmem:$0x1290] =	vst v63  }
0x19: {  	_ =	swait.ge [sflag:s7], $0x1200  }
.Ltmp1:
0x1a: {  	[sflag:s7] =	ssyncset.done $0x0;
	(pc) =	sbr.rel @p0 .LBB2_1-.Ltmp1, $4  }
0x1b: {  	[sflag:s7] =	ssyncadd.s32 $0xFFFFEE00  }
0x1c: {  	[hbm4b:s8+s3] =	stream.linear.scatter [tilespmem:s6], [sflag:$0x2], $0x1200, $0x38;
	[tilespmem:$0x1290] =	vst v63  }
0x1d: {  	_ =	swait.ge [sflag:s4], $0x1200  }
0x1e: {  	[sflag:s4] =	ssyncset.done $0x0  }
.LBB2_2:
0x1f: {  	[sflag:s4] =	ssyncadd.s32 $0xFFFFEE00  }
0x20: {  	_ =	sfence.sel $0x180000  }
0x21: {  	[bflag:$0x0] =	sbarrier.arrive $0xFFFF  }
0x22: {  	p0 =	sne.s32 s0, $0x0;
	_ =	strace $0x90000047  }
0x23: {  	s0 =	sadd.s32 @!p0 $0x100000, s1;
	[bflag:$0x2] =	sbarrier.arrive $0xFFFF  }
0x24: {  	[sflag:s0] =	ssyncadd.tile.s32 @!p0 $0x1;
	_ =	shalt  }
.Lfunc_end2:
_tile_overlayer_lowered:
.L_overlay_start_2:
0x25: {  	(tag) =	ssettag $0x2  }
0x26: {  	s0 =	rddreg [dreg:$0x0];
	s2 =	stileid.u32  }
0x27: {  	s1 =	rddreg [dreg:$0x1];
	p0 =	sne.s32 s2, $0x0  }
0x28: {  	s3 =	rddreg [dreg:$0x2];
	[bflag:$0x3] =	sbarrier.arrive $0xFFFF;
	s2 =	simm.s32 @!p0 $0x1C02  }
0x29: {  	[timem:s3], [sflag:s2] =	dma.local @!p0 [hbm:s0], s1  }
0x2a: {  	s0 =	simm.s32 @!p0 $0x2  }
0x2b: {  	_ =	swait.ge @!p0 [sflag:s0], s1  }
0x2c: {  	s1 =	ssub.s32 @!p0 $0x0, s1;
	[sflag:s0] =	ssyncset.done @!p0 $0x0  }
0x2d: {  	[sflag:s0] =	ssyncadd.s32 @!p0 s1  }
0x2e: {  	[bflag:$0x3] =	sbarrier.arrive $0xFFFF  }
0x2f: {  	_ =	shalt  }

</sc_bundles>
